<compile_context>
chip_gen: v7x
topology: tpu7x:2x2x1
jax: 0.10.2.dev20260603
libtpu: 0.0.44.dev20260713+nightly
codegen_flags: <defaults>
</compile_context>

<pallas_src>
import functools

import jax
import jax.numpy as jnp
import numpy as np
from jax import lax
from jax.experimental import pallas as pl
from jax.experimental.pallas import tpu as pltpu
from jax.experimental.pallas import tpu_sc as plsc

B = 4096
_I0 = np.int32(0)
D = 128
SUB = 8
BW = B // SUB
QB = 512
KB = 512

NC = 2
NS = 16
NW = NC * NS
BPW = B // NW


def _hash_trunc_kernel(xr_ref, x_ref, w1_ref, w2_ref, w3_ref, w4_ref,
                       v_ref, xt_ref):
    xt_ref[...] = x_ref[...].astype(jnp.int32)

    def two_sum(s, c, p):
        t = s + p
        bb = t - s
        e2 = (s - (t - bb)) + (p - bb)
        return t, c + e2

    def body(k, carry):
        s, c = carry
        xk = xr_ref[k]
        w1 = w1_ref[k]
        w2 = w2_ref[k]
        w3 = w3_ref[k]
        w4 = w4_ref[k]
        xb = lax.bitcast_convert_type(xk, jnp.int32)
        xh = lax.bitcast_convert_type(xb & jnp.int32(-4096), jnp.float32)
        xl = xk - xh
        m = (w2 * xl + w3 * xk) + w4 * xk
        s, c = two_sum(s, c, w1 * xh)
        s, c = two_sum(s, c, w1 * xl)
        s, c = two_sum(s, c, w2 * xh)
        s, c = two_sum(s, c, m)
        return s, c

    zero = jnp.zeros((SUB, BW), jnp.float32)
    s, c = lax.fori_loop(0, D, body, (zero, zero))

    c2 = c
    i0 = s.astype(jnp.int32)
    r = s - i0.astype(jnp.float32)
    fh = r + c2
    bb = fh - r
    ferr = (r - (fh - bb)) + (c2 - bb)
    hi = (fh >= 1.0)
    lo = (fh <= -1.0)
    i1 = i0 + hi.astype(jnp.int32) - lo.astype(jnp.int32)
    f3 = (fh - hi.astype(jnp.float32) + lo.astype(jnp.float32)) + ferr
    fl = i1 + jnp.where(f3 < 0.0, jnp.int32(-1), jnp.int32(0))
    neg = (i1 < 0) | ((i1 == 0) & (f3 < 0.0))
    hasf = f3 != 0.0
    v_ref[...] = fl + (neg & hasf).astype(jnp.int32)


def _first_kernel(vrow_ref, vcol_ref, first_ref):
    ic = pl.program_id(0)
    vq = vcol_ref[...]
    base_iota = lax.broadcasted_iota(jnp.int32, (QB, KB), 1)

    first_ref[...] = jnp.full((QB, 1), B, jnp.int32)
    for jc in range(B // KB):
        @pl.when(jc <= ic)
        def _():
            vk = vrow_ref[jc]
            eq = vq == vk
            cand = jnp.where(eq, base_iota + jc * KB, B)
            first_ref[...] = jnp.minimum(
                first_ref[...], jnp.min(cand, axis=1, keepdims=True))


def _gather_kernel(xt_hbm, idx_hbm, out_hbm, idx_v, rows_v, sem):
    wid = lax.axis_index("s") * NC + lax.axis_index("c")
    base = wid * BPW
    pltpu.sync_copy(idx_hbm.at[pl.ds(base, BPW)], idx_v)
    pltpu.async_copy(xt_hbm.at[idx_v], rows_v, sem).wait()
    pltpu.sync_copy(rows_v, out_hbm.at[pl.ds(base, BPW)])


def _mask12(a):
    b = lax.bitcast_convert_type(a, jnp.int32)
    return lax.bitcast_convert_type(b & jnp.int32(-4096), jnp.float32)


def kernel(x, weights):
    w1 = _mask12(weights.astype(jnp.float32))
    r1 = weights - w1.astype(jnp.float64)
    w2 = _mask12(r1.astype(jnp.float32))
    r2 = r1 - w2.astype(jnp.float64)
    w3 = _mask12(r2.astype(jnp.float32))
    w4 = (r2 - w3.astype(jnp.float64)).astype(jnp.float32)
    xr = x.T.reshape(D, SUB, BW)

    smem = pl.BlockSpec(memory_space=pltpu.SMEM)
    v8, xt = pl.pallas_call(
        _hash_trunc_kernel,
        in_specs=[pl.BlockSpec((D, SUB, BW), lambda: (_I0, _I0, _I0)),
                  pl.BlockSpec((B, D), lambda: (_I0, _I0)),
                  smem, smem, smem, smem],
        out_specs=[pl.BlockSpec((SUB, BW), lambda: (_I0, _I0)),
                   pl.BlockSpec((B, D), lambda: (_I0, _I0))],
        out_shape=[jax.ShapeDtypeStruct((SUB, BW), jnp.int32),
                   jax.ShapeDtypeStruct((B, D), jnp.int32)],
    )(xr, x, w1, w2, w3, w4)

    vflat = v8.reshape(B)
    first = pl.pallas_call(
        _first_kernel,
        grid=(B // QB,),
        in_specs=[pl.BlockSpec((B // KB, 1, KB), lambda i: (_I0, _I0, _I0)),
                  pl.BlockSpec((QB, 1), lambda i: (i, _I0))],
        out_specs=pl.BlockSpec((QB, 1), lambda i: (i, _I0)),
        out_shape=jax.ShapeDtypeStruct((B, 1), jnp.int32),
    )(vflat.reshape(B // KB, 1, KB), vflat.reshape(B, 1))

    mesh = plsc.VectorSubcoreMesh(core_axis_name="c", subcore_axis_name="s")
    gather = functools.partial(
        pl.kernel,
        out_type=jax.ShapeDtypeStruct((B, D), jnp.int32),
        mesh=mesh,
        scratch_types=[
            pltpu.VMEM((BPW,), jnp.int32),
            pltpu.VMEM((BPW, D), jnp.int32),
            pltpu.SemaphoreType.DMA,
        ],
    )(_gather_kernel)
    return gather(xt, first.reshape(B))

# --- scband reference (transcript-rebuilt; emitter-appended) ---
"""Pipeline reference for scband-lsh-9302899163580 (READ-ONLY COPY).

The authoritative reference and input builder live on the scoring server;
editing this copy changes nothing except your own understanding.
"""

import jax, jax.numpy as jnp
import numpy as np
jax.config.update('jax_enable_x64', True)

B = 4096
D = 128
WIDTH = 1000.0

def setup_inputs(seed: int = 0) -> dict:
    key = jax.random.key(seed)
    k1, k2 = jax.random.split(key)
    x = jax.random.normal(k1, (B, D), dtype=jnp.float32)
    # non-trainable LSH projection: rand(embed_dim) * width, float64 as in module
    weights = jax.random.uniform(k2, (D,), dtype=jnp.float64) * WIDTH
    return {"x": x, "weights": weights}

def reference(x, weights):
    # eval-mode forward with default kwargs (return_index=False, nearest_neighbor=False),
    # starting from an empty self.vectors dict.
    xd = x.astype(jnp.float64)
    # v = trunc(weights @ x.T).int()
    v = jnp.trunc(weights @ xd.T).astype(jnp.int32)  # [B]
    # dict semantics within the batch: first row with a given hash stores its x;
    # later rows with the same hash retrieve the stored (first) vector.
    eq = v[:, None] == v[None, :]               # [B, B]
    first = jnp.argmax(eq, axis=1)              # first occurrence index of each hash
    gathered = xd[first]                        # [B, D] float64
    # ret buffer is torch int32: float assignment truncates toward zero
    ret = gathered.astype(jnp.int32)
    return ret

if __name__ == "__main__":
    import jax
    _d = setup_inputs()
    print(jax.jit(kernel)(*tuple(_d.values())))

</pallas_src>

<mosaic_0001>
#map = affine_map<(d0, d1) -> (0, 0)>
#map1 = affine_map<(d0, d1) -> (0)>
module attributes {stable_mosaic.version = 14 : i64} {
  func.func @_gather_kernel(%arg0: i32, %arg1: i32, %arg2: memref<4096x128xi32, #tpu.memory_space<hbm>>, %arg3: memref<4096xi32, #tpu.memory_space<hbm>>, %arg4: memref<4096x128xi32, #tpu.memory_space<hbm>>, %arg5: memref<128xi32, #tpu.memory_space<vmem>>, %arg6: memref<128x128xi32, #tpu.memory_space<vmem>>, %arg7: memref<!tpu.dma_semaphore, #tpu.memory_space<semaphore_mem>>) attributes {dimension_semantics = [#tpu.dimension_semantics<core_parallel>, #tpu.dimension_semantics<subcore_parallel>], iteration_bounds = array<i64: 2, 16>, scalar_prefetch = 0 : i64, scratch_operands = 3 : i64, tpu.core_type = #tpu.core_type<sc_vector_subcore>, window_params = [{transform_indices = #map}, {transform_indices = #map1}, {transform_indices = #map}]} {
    %mul3A = arith.constant 2 : i32
    %mul3A_0 = arith.muli %arg1, %mul3A : i32
    %add3A = arith.addi %mul3A_0, %arg0 : i32
    %mul3A_1 = arith.constant 128 : i32
    %mul3A_2 = arith.muli %add3A, %mul3A_1 : i32
    "tpu.region"() ({
      %run_scoped3A = tpu.sem_alloc : memref<!tpu.dma_semaphore, #tpu.memory_space<semaphore_mem>>
      %dma_start3A_7 = tpu.memref_slice %arg3[%mul3A_2] : memref<4096xi32, #tpu.memory_space<hbm>> -> memref<128xi32, #tpu.memory_space<hbm>>
      %dma_start3A_8 = tpu.memref_slice %arg3[%mul3A_2] : memref<4096xi32, #tpu.memory_space<hbm>> -> memref<128xi32, #tpu.memory_space<hbm>>
      tpu.enqueue_dma source(%dma_start3A_8 : memref<128xi32, #tpu.memory_space<hbm>>) target(%arg5 : memref<128xi32, #tpu.memory_space<vmem>>) target_semaphore(%run_scoped3A : memref<!tpu.dma_semaphore, #tpu.memory_space<semaphore_mem>>)
      %dma_wait3A_9 = tpu.memref_slice %arg3[%mul3A_2] : memref<4096xi32, #tpu.memory_space<hbm>> -> memref<128xi32, #tpu.memory_space<hbm>>
      %dma_wait3A_10 = tpu.memref_slice %arg3[%mul3A_2] : memref<4096xi32, #tpu.memory_space<hbm>> -> memref<128xi32, #tpu.memory_space<hbm>>
      tpu.wait_dma2 semaphore(%run_scoped3A : memref<!tpu.dma_semaphore, #tpu.memory_space<semaphore_mem>>) src(%dma_wait3A_10 : memref<128xi32, #tpu.memory_space<hbm>>) dst(%arg5 : memref<128xi32, #tpu.memory_space<vmem>>)
      tpu.yield
    }) : () -> ()
    %dma_start3A = arith.constant 0 : i32
    %dma_start3A_3 = arith.constant 0 : i32
    %dma_start3A_4 = tpu.memref_slice %arg2[%dma_start3A, %dma_start3A_3] : memref<4096x128xi32, #tpu.memory_space<hbm>> -> memref<4096x128xi32, #tpu.memory_space<hbm>>
    tpu.enqueue_indirect_dma source(%dma_start3A_4 : memref<4096x128xi32, #tpu.memory_space<hbm>>) target(%arg6 : memref<128x128xi32, #tpu.memory_space<vmem>>) offsets(%arg5 : memref<128xi32, #tpu.memory_space<vmem>>) semaphore(%arg7 : memref<!tpu.dma_semaphore, #tpu.memory_space<semaphore_mem>>)
    %dma_wait3A = arith.constant 0 : i32
    %dma_wait3A_5 = arith.constant 0 : i32
    %dma_wait3A_6 = tpu.memref_slice %arg2[%dma_wait3A, %dma_wait3A_5] : memref<4096x128xi32, #tpu.memory_space<hbm>> -> memref<4096x128xi32, #tpu.memory_space<hbm>>
    tpu.wait_indirect_dma semaphore(%arg7 : memref<!tpu.dma_semaphore, #tpu.memory_space<semaphore_mem>>) src(%dma_wait3A_6 : memref<4096x128xi32, #tpu.memory_space<hbm>>) dst(%arg6 : memref<128x128xi32, #tpu.memory_space<vmem>>)
    "tpu.region"() ({
      %run_scoped3A = tpu.sem_alloc : memref<!tpu.dma_semaphore, #tpu.memory_space<semaphore_mem>>
      %dma_start3A_7 = arith.constant 0 : i32
      %dma_start3A_8 = tpu.memref_slice %arg4[%mul3A_2, %dma_start3A_7] : memref<4096x128xi32, #tpu.memory_space<hbm>> -> memref<128x128xi32, #tpu.memory_space<hbm>>
      %dma_start3A_9 = arith.constant 0 : i32
      %dma_start3A_10 = tpu.memref_slice %arg4[%mul3A_2, %dma_start3A_9] : memref<4096x128xi32, #tpu.memory_space<hbm>> -> memref<128x128xi32, #tpu.memory_space<hbm>>
      tpu.enqueue_dma source(%arg6 : memref<128x128xi32, #tpu.memory_space<vmem>>) target(%dma_start3A_10 : memref<128x128xi32, #tpu.memory_space<hbm>>) target_semaphore(%run_scoped3A : memref<!tpu.dma_semaphore, #tpu.memory_space<semaphore_mem>>)
      %dma_wait3A_11 = arith.constant 0 : i32
      %dma_wait3A_12 = tpu.memref_slice %arg4[%mul3A_2, %dma_wait3A_11] : memref<4096x128xi32, #tpu.memory_space<hbm>> -> memref<128x128xi32, #tpu.memory_space<hbm>>
      %dma_wait3A_13 = arith.constant 0 : i32
      %dma_wait3A_14 = tpu.memref_slice %arg4[%mul3A_2, %dma_wait3A_13] : memref<4096x128xi32, #tpu.memory_space<hbm>> -> memref<128x128xi32, #tpu.memory_space<hbm>>
      tpu.wait_dma2 semaphore(%run_scoped3A : memref<!tpu.dma_semaphore, #tpu.memory_space<semaphore_mem>>) src(%arg6 : memref<128x128xi32, #tpu.memory_space<vmem>>) dst(%dma_wait3A_14 : memref<128x128xi32, #tpu.memory_space<hbm>>)
      tpu.yield
    }) : () -> ()
    return
  }
}

module attributes {stable_mosaic.version = 14 : i64} {
  func.func @_hash_trunc_kernel(%arg0: memref<128x8x512xf32, #tpu.memory_space<vmem>>, %arg1: memref<4096x128xf32, #tpu.memory_space<vmem>>, %arg2: memref<128xf32, #tpu.memory_space<smem>>, %arg3: memref<128xf32, #tpu.memory_space<smem>>, %arg4: memref<128xf32, #tpu.memory_space<smem>>, %arg5: memref<128xf32, #tpu.memory_space<smem>>, %arg6: memref<8x512xi32, #tpu.memory_space<vmem>>, %arg7: memref<4096x128xi32, #tpu.memory_space<vmem>>) attributes {dimension_semantics = [], scalar_prefetch = 0 : i64, scratch_operands = 0 : i64, tpu.core_type = #tpu.core_type<tc>} {
    %get3A = arith.constant 0 : index
    %get3A_0 = arith.constant 0 : index
    %get3A_1 = vector.load %arg1[%get3A, %get3A_0] : memref<4096x128xf32, #tpu.memory_space<vmem>>, vector<4096x128xf32>
    %convert_element_type3A = arith.fptosi %get3A_1 : vector<4096x128xf32> to vector<4096x128xi32>
    %swap3A = arith.constant 0 : index
    %swap3A_2 = arith.constant 0 : index
    %swap3A_3 = vector.load %arg7[%swap3A, %swap3A_2] : memref<4096x128xi32, #tpu.memory_space<vmem>>, vector<4096x128xi32>
    tpu.vector_store %arg7[%swap3A, %swap3A_2], %convert_element_type3A {strides = array<i32>} : memref<4096x128xi32, #tpu.memory_space<vmem>>, vector<4096x128xi32>,
    %broadcast_in_dim3A = arith.constant 0.000000e+00 : f32
    %broadcast_in_dim3A_4 = vector.broadcast %broadcast_in_dim3A : f32 to vector<8x512xf32>
    %scan3A = arith.constant 0 : i32
    %scan3A_5 = arith.constant 128 : i32
    %scan3A_6 = arith.addi %scan3A, %scan3A_5 : i32
    %scan3A_7 = arith.constant 1 : i32
    %scan3A_8:2 = scf.for %scan3A_54 = %scan3A to %scan3A_6 step %scan3A_7 iter_args(%scan3A_55 = %broadcast_in_dim3A_4, %scan3A_56 = %broadcast_in_dim3A_4) -> (vector<8x512xf32>, vector<8x512xf32>)  : i32 {
      %get3A_57 = arith.index_cast %scan3A_54 : i32 to index
      %get3A_58 = arith.constant 0 : index
      %get3A_59 = arith.constant 0 : index
      %get3A_60 = vector.load %arg0[%get3A_57, %get3A_58, %get3A_59] : memref<128x8x512xf32, #tpu.memory_space<vmem>>, vector<1x8x512xf32>
      %get3A_61 = vector.shape_cast %get3A_60 : vector<1x8x512xf32> to vector<8x512xf32>
      %get3A_62 = arith.index_cast %scan3A_54 : i32 to index
      %get3A_63 = memref.load %arg2[%get3A_62] : memref<128xf32, #tpu.memory_space<smem>>
      %get3A_64 = arith.index_cast %scan3A_54 : i32 to index
      %get3A_65 = memref.load %arg3[%get3A_64] : memref<128xf32, #tpu.memory_space<smem>>
      %get3A_66 = arith.index_cast %scan3A_54 : i32 to index
      %get3A_67 = memref.load %arg4[%get3A_66] : memref<128xf32, #tpu.memory_space<smem>>
      %get3A_68 = arith.index_cast %scan3A_54 : i32 to index
      %get3A_69 = memref.load %arg5[%get3A_68] : memref<128xf32, #tpu.memory_space<smem>>
      %bitcast_convert_type3A = tpu.bitcast %get3A_61 : vector<8x512xf32> -> vector<8x512xi32>
      %and3A_70 = arith.constant -4096 : i32
      %and3A_71 = vector.broadcast %and3A_70 : i32 to vector<8x512xi32>
      %and3A_72 = arith.andi %bitcast_convert_type3A, %and3A_71 : vector<8x512xi32>
      %bitcast_convert_type3A_73 = tpu.bitcast %and3A_72 : vector<8x512xi32> -> vector<8x512xf32>
      %sub3A_74 = arith.subf %get3A_61, %bitcast_convert_type3A_73 : vector<8x512xf32>
      %mul3A = vector.broadcast %get3A_65 : f32 to vector<8x512xf32>
      %mul3A_75 = arith.mulf %mul3A, %sub3A_74 : vector<8x512xf32>
      %mul3A_76 = vector.broadcast %get3A_67 : f32 to vector<8x512xf32>
      %mul3A_77 = arith.mulf %mul3A_76, %get3A_61 : vector<8x512xf32>
      %add3A_78 = arith.addf %mul3A_75, %mul3A_77 : vector<8x512xf32>
      %mul3A_79 = vector.broadcast %get3A_69 : f32 to vector<8x512xf32>
      %mul3A_80 = arith.mulf %mul3A_79, %get3A_61 : vector<8x512xf32>
      %add3A_81 = arith.addf %add3A_78, %mul3A_80 : vector<8x512xf32>
      %mul3A_82 = vector.broadcast %get3A_63 : f32 to vector<8x512xf32>
      %mul3A_83 = arith.mulf %mul3A_82, %bitcast_convert_type3A_73 : vector<8x512xf32>
      %add3A_84 = arith.addf %scan3A_55, %mul3A_83 : vector<8x512xf32>
      %sub3A_85 = arith.subf %add3A_84, %scan3A_55 : vector<8x512xf32>
      %sub3A_86 = arith.subf %add3A_84, %sub3A_85 : vector<8x512xf32>
      %sub3A_87 = arith.subf %scan3A_55, %sub3A_86 : vector<8x512xf32>
      %sub3A_88 = arith.subf %mul3A_83, %sub3A_85 : vector<8x512xf32>
      %add3A_89 = arith.addf %sub3A_87, %sub3A_88 : vector<8x512xf32>
      %add3A_90 = arith.addf %scan3A_56, %add3A_89 : vector<8x512xf32>
      %mul3A_91 = vector.broadcast %get3A_63 : f32 to vector<8x512xf32>
      %mul3A_92 = arith.mulf %mul3A_91, %sub3A_74 : vector<8x512xf32>
      %add3A_93 = arith.addf %add3A_84, %mul3A_92 : vector<8x512xf32>
      %sub3A_94 = arith.subf %add3A_93, %add3A_84 : vector<8x512xf32>
      %sub3A_95 = arith.subf %add3A_93, %sub3A_94 : vector<8x512xf32>
      %sub3A_96 = arith.subf %add3A_84, %sub3A_95 : vector<8x512xf32>
      %sub3A_97 = arith.subf %mul3A_92, %sub3A_94 : vector<8x512xf32>
      %add3A_98 = arith.addf %sub3A_96, %sub3A_97 : vector<8x512xf32>
      %add3A_99 = arith.addf %add3A_90, %add3A_98 : vector<8x512xf32>
      %mul3A_100 = vector.broadcast %get3A_65 : f32 to vector<8x512xf32>
      %mul3A_101 = arith.mulf %mul3A_100, %bitcast_convert_type3A_73 : vector<8x512xf32>
      %add3A_102 = arith.addf %add3A_93, %mul3A_101 : vector<8x512xf32>
      %sub3A_103 = arith.subf %add3A_102, %add3A_93 : vector<8x512xf32>
      %sub3A_104 = arith.subf %add3A_102, %sub3A_103 : vector<8x512xf32>
      %sub3A_105 = arith.subf %add3A_93, %sub3A_104 : vector<8x512xf32>
      %sub3A_106 = arith.subf %mul3A_101, %sub3A_103 : vector<8x512xf32>
      %add3A_107 = arith.addf %sub3A_105, %sub3A_106 : vector<8x512xf32>
      %add3A_108 = arith.addf %add3A_99, %add3A_107 : vector<8x512xf32>
      %add3A_109 = arith.addf %add3A_102, %add3A_81 : vector<8x512xf32>
      %sub3A_110 = arith.subf %add3A_109, %add3A_102 : vector<8x512xf32>
      %sub3A_111 = arith.subf %add3A_109, %sub3A_110 : vector<8x512xf32>
      %sub3A_112 = arith.subf %add3A_102, %sub3A_111 : vector<8x512xf32>
      %sub3A_113 = arith.subf %add3A_81, %sub3A_110 : vector<8x512xf32>
      %add3A_114 = arith.addf %sub3A_112, %sub3A_113 : vector<8x512xf32>
      %add3A_115 = arith.addf %add3A_108, %add3A_114 : vector<8x512xf32>
      scf.yield %add3A_109, %add3A_115 : vector<8x512xf32>, vector<8x512xf32>
    }
    %scan3A_9 = arith.constant 128 : i32
    %convert_element_type3A_10 = arith.fptosi %scan3A_8#0 : vector<8x512xf32> to vector<8x512xi32>
    %convert_element_type3A_11 = arith.sitofp %convert_element_type3A_10 : vector<8x512xi32> to vector<8x512xf32>
    %sub3A = arith.subf %scan3A_8#0, %convert_element_type3A_11 : vector<8x512xf32>
    %add3A = arith.addf %sub3A, %scan3A_8#1 : vector<8x512xf32>
    %sub3A_12 = arith.subf %add3A, %sub3A : vector<8x512xf32>
    %sub3A_13 = arith.subf %add3A, %sub3A_12 : vector<8x512xf32>
    %sub3A_14 = arith.subf %sub3A, %sub3A_13 : vector<8x512xf32>
    %sub3A_15 = arith.subf %scan3A_8#1, %sub3A_12 : vector<8x512xf32>
    %add3A_16 = arith.addf %sub3A_14, %sub3A_15 : vector<8x512xf32>
    %ge3A = arith.constant 1.000000e+00 : f32
    %ge3A_17 = vector.broadcast %ge3A : f32 to vector<8x512xf32>
    %ge3A_18 = arith.cmpf oge, %add3A, %ge3A_17 : vector<8x512xf32>
    %le3A = arith.constant -1.000000e+00 : f32
    %le3A_19 = vector.broadcast %le3A : f32 to vector<8x512xf32>
    %le3A_20 = arith.cmpf ole, %add3A, %le3A_19 : vector<8x512xf32>
    %convert_element_type3A_21 = arith.extui %ge3A_18 : vector<8x512xi1> to vector<8x512xi32>
    %add3A_22 = arith.addi %convert_element_type3A_10, %convert_element_type3A_21 : vector<8x512xi32>
    %convert_element_type3A_23 = arith.extui %le3A_20 : vector<8x512xi1> to vector<8x512xi32>
    %sub3A_24 = arith.subi %add3A_22, %convert_element_type3A_23 : vector<8x512xi32>
    %convert_element_type3A_25 = arith.extui %ge3A_18 : vector<8x512xi1> to vector<8x512xi32>
    %convert_element_type3A_26 = arith.sitofp %convert_element_type3A_25 : vector<8x512xi32> to vector<8x512xf32>
    %sub3A_27 = arith.subf %add3A, %convert_element_type3A_26 : vector<8x512xf32>
    %convert_element_type3A_28 = arith.extui %le3A_20 : vector<8x512xi1> to vector<8x512xi32>
    %convert_element_type3A_29 = arith.sitofp %convert_element_type3A_28 : vector<8x512xi32> to vector<8x512xf32>
    %add3A_30 = arith.addf %sub3A_27, %convert_element_type3A_29 : vector<8x512xf32>
    %add3A_31 = arith.addf %add3A_30, %add3A_16 : vector<8x512xf32>
    %lt3A = arith.constant 0.000000e+00 : f32
    %lt3A_32 = vector.broadcast %lt3A : f32 to vector<8x512xf32>
    %lt3A_33 = arith.cmpf olt, %add3A_31, %lt3A_32 : vector<8x512xf32>
    %jit3A = arith.constant -1 : i32
    %jit3A_34 = arith.constant 0 : i32
    %broadcast_in_dim3A_35 = vector.broadcast %jit3A : i32 to vector<8x512xi32>
    %broadcast_in_dim3A_36 = vector.broadcast %jit3A_34 : i32 to vector<8x512xi32>
    %select_n3A = arith.select %lt3A_33, %broadcast_in_dim3A_35, %broadcast_in_dim3A_36 : vector<8x512xi1>, vector<8x512xi32>
    %add3A_37 = arith.addi %sub3A_24, %select_n3A : vector<8x512xi32>
    %lt3A_38 = arith.constant 0 : i32
    %lt3A_39 = vector.broadcast %lt3A_38 : i32 to vector<8x512xi32>
    %lt3A_40 = arith.cmpi slt, %sub3A_24, %lt3A_39 : vector<8x512xi32>
    %eq3A = arith.constant 0 : i32
    %eq3A_41 = vector.broadcast %eq3A : i32 to vector<8x512xi32>
    %eq3A_42 = arith.cmpi eq, %sub3A_24, %eq3A_41 : vector<8x512xi32>
    %lt3A_43 = arith.constant 0.000000e+00 : f32
    %lt3A_44 = vector.broadcast %lt3A_43 : f32 to vector<8x512xf32>
    %lt3A_45 = arith.cmpf olt, %add3A_31, %lt3A_44 : vector<8x512xf32>
    %and3A = arith.andi %eq3A_42, %lt3A_45 : vector<8x512xi1>
    %or3A = arith.ori %lt3A_40, %and3A : vector<8x512xi1>
    %ne3A = arith.constant 0.000000e+00 : f32
    %ne3A_46 = vector.broadcast %ne3A : f32 to vector<8x512xf32>
    %ne3A_47 = arith.cmpf one, %add3A_31, %ne3A_46 : vector<8x512xf32>
    %and3A_48 = arith.andi %or3A, %ne3A_47 : vector<8x512xi1>
    %convert_element_type3A_49 = arith.extui %and3A_48 : vector<8x512xi1> to vector<8x512xi32>
    %add3A_50 = arith.addi %add3A_37, %convert_element_type3A_49 : vector<8x512xi32>
    %swap3A_51 = arith.constant 0 : index
    %swap3A_52 = arith.constant 0 : index
    %swap3A_53 = vector.load %arg6[%swap3A_51, %swap3A_52] : memref<8x512xi32, #tpu.memory_space<vmem>>, vector<8x512xi32>
    tpu.vector_store %arg6[%swap3A_51, %swap3A_52], %add3A_50 {strides = array<i32>} : memref<8x512xi32, #tpu.memory_space<vmem>>, vector<8x512xi32>,
    return
  }
}

module attributes {stable_mosaic.version = 14 : i64} {
  func.func @_first_kernel(%arg0: i32, %arg1: memref<8x1x512xi32, #tpu.memory_space<vmem>>, %arg2: memref<512x1xi32, #tpu.memory_space<vmem>>, %arg3: memref<512x1xi32, #tpu.memory_space<vmem>>) attributes {dimension_semantics = [#tpu.dimension_semantics<arbitrary>], iteration_bounds = array<i64: 8>, scalar_prefetch = 0 : i64, scratch_operands = 0 : i64, tpu.core_type = #tpu.core_type<tc>, window_params = [{pipeline_mode = #tpu.pipeline_mode<synchronous>, transform_indices = @transform_0, window_bounds = array<i64: 8, 1, 512>}, {transform_indices = @transform_1, window_bounds = array<i64: 512, 1>}, {transform_indices = @transform_2, window_bounds = array<i64: 512, 1>}]} {
    %get3A = arith.constant 0 : index
    %get3A_0 = arith.constant 0 : index
    %get3A_1 = vector.load %arg2[%get3A, %get3A_0] : memref<512x1xi32, #tpu.memory_space<vmem>>, vector<512x1xi32>
    %iota3A = tpu.iota {dimensions = array<i32: 1>} : vector<512x512xi32>
    %broadcast_in_dim3A = arith.constant 4096 : i32
    %broadcast_in_dim3A_2 = vector.broadcast %broadcast_in_dim3A : i32 to vector<512x1xi32>
    %swap3A = arith.constant 0 : index
    %swap3A_3 = arith.constant 0 : index
    %swap3A_4 = vector.load %arg3[%swap3A, %swap3A_3] : memref<512x1xi32, #tpu.memory_space<vmem>>, vector<512x1xi32>
    tpu.vector_store %arg3[%swap3A, %swap3A_3], %broadcast_in_dim3A_2 {strides = array<i32>} : memref<512x1xi32, #tpu.memory_space<vmem>>, vector<512x1xi32>,
    %ge3A = arith.constant 0 : i32
    %ge3A_5 = arith.cmpi sge, %arg0, %ge3A : i32
    %convert_element_type3A = arith.extui %ge3A_5 : i1 to i32
    %cond3A = arith.constant 0 : i32
    %cond3A_6 = arith.cmpi ne, %convert_element_type3A, %cond3A : i32
    scf.if %cond3A_6 {
      %get3A_42 = arith.constant 0 : index
      %get3A_43 = arith.constant 0 : index
      %get3A_44 = arith.constant 0 : index
      %get3A_45 = vector.load %arg1[%get3A_42, %get3A_43, %get3A_44] : memref<8x1x512xi32, #tpu.memory_space<vmem>>, vector<1x1x512xi32>
      %get3A_46 = vector.shape_cast %get3A_45 : vector<1x1x512xi32> to vector<1x512xi32>
      %eq3A = vector.broadcast %get3A_1 : vector<512x1xi32> to vector<512x512xi32>
      %eq3A_47 = vector.broadcast %get3A_46 : vector<1x512xi32> to vector<512x512xi32>
      %eq3A_48 = arith.cmpi eq, %eq3A, %eq3A_47 : vector<512x512xi32>
      %add3A = arith.constant 0 : i32
      %add3A_49 = vector.broadcast %add3A : i32 to vector<512x512xi32>
      %add3A_50 = arith.addi %iota3A, %add3A_49 : vector<512x512xi32>
      %jit3A = arith.constant 4096 : i64
      %convert_element_type3A_51 = arith.trunci %jit3A : i64 to i32
      %broadcast_in_dim3A_52 = vector.broadcast %convert_element_type3A_51 : i32 to vector<512x512xi32>
      %select_n3A = arith.select %eq3A_48, %add3A_50, %broadcast_in_dim3A_52 : vector<512x512xi1>, vector<512x512xi32>
      %get3A_53 = arith.constant 0 : index
      %get3A_54 = arith.constant 0 : index
      %get3A_55 = vector.load %arg3[%get3A_53, %get3A_54] : memref<512x1xi32, #tpu.memory_space<vmem>>, vector<512x1xi32>
      %reduce_min3A = arith.constant dense<2147483647> : vector<512xi32>
      %reduce_min3A_56 = vector.multi_reduction <minsi>, %select_n3A, %reduce_min3A [1] : vector<512x512xi32> to vector<512xi32>
      %broadcast_in_dim3A_57 = vector.shape_cast %reduce_min3A_56 : vector<512xi32> to vector<512x1xi32>
      %min3A = arith.minsi %get3A_55, %broadcast_in_dim3A_57 : vector<512x1xi32>
      %swap3A_58 = arith.constant 0 : index
      %swap3A_59 = arith.constant 0 : index
      %swap3A_60 = vector.load %arg3[%swap3A_58, %swap3A_59] : memref<512x1xi32, #tpu.memory_space<vmem>>, vector<512x1xi32>
      tpu.vector_store %arg3[%swap3A_58, %swap3A_59], %min3A {strides = array<i32>} : memref<512x1xi32, #tpu.memory_space<vmem>>, vector<512x1xi32>,
    } else {
    }
    %ge3A_7 = arith.constant 1 : i32
    %ge3A_8 = arith.cmpi sge, %arg0, %ge3A_7 : i32
    %convert_element_type3A_9 = arith.extui %ge3A_8 : i1 to i32
    %cond3A_10 = arith.constant 0 : i32
    %cond3A_11 = arith.cmpi ne, %convert_element_type3A_9, %cond3A_10 : i32
    scf.if %cond3A_11 {
      %get3A_42 = arith.constant 1 : index
      %get3A_43 = arith.constant 0 : index
      %get3A_44 = arith.constant 0 : index
      %get3A_45 = vector.load %arg1[%get3A_42, %get3A_43, %get3A_44] : memref<8x1x512xi32, #tpu.memory_space<vmem>>, vector<1x1x512xi32>
      %get3A_46 = vector.shape_cast %get3A_45 : vector<1x1x512xi32> to vector<1x512xi32>
      %eq3A = vector.broadcast %get3A_1 : vector<512x1xi32> to vector<512x512xi32>
      %eq3A_47 = vector.broadcast %get3A_46 : vector<1x512xi32> to vector<512x512xi32>
      %eq3A_48 = arith.cmpi eq, %eq3A, %eq3A_47 : vector<512x512xi32>
      %add3A = arith.constant 512 : i32
      %add3A_49 = vector.broadcast %add3A : i32 to vector<512x512xi32>
      %add3A_50 = arith.addi %iota3A, %add3A_49 : vector<512x512xi32>
      %jit3A = arith.constant 4096 : i64
      %convert_element_type3A_51 = arith.trunci %jit3A : i64 to i32
      %broadcast_in_dim3A_52 = vector.broadcast %convert_element_type3A_51 : i32 to vector<512x512xi32>
      %select_n3A = arith.select %eq3A_48, %add3A_50, %broadcast_in_dim3A_52 : vector<512x512xi1>, vector<512x512xi32>
      %get3A_53 = arith.constant 0 : index
      %get3A_54 = arith.constant 0 : index
      %get3A_55 = vector.load %arg3[%get3A_53, %get3A_54] : memref<512x1xi32, #tpu.memory_space<vmem>>, vector<512x1xi32>
      %reduce_min3A = arith.constant dense<2147483647> : vector<512xi32>
      %reduce_min3A_56 = vector.multi_reduction <minsi>, %select_n3A, %reduce_min3A [1] : vector<512x512xi32> to vector<512xi32>
      %broadcast_in_dim3A_57 = vector.shape_cast %reduce_min3A_56 : vector<512xi32> to vector<512x1xi32>
      %min3A = arith.minsi %get3A_55, %broadcast_in_dim3A_57 : vector<512x1xi32>
      %swap3A_58 = arith.constant 0 : index
      %swap3A_59 = arith.constant 0 : index
      %swap3A_60 = vector.load %arg3[%swap3A_58, %swap3A_59] : memref<512x1xi32, #tpu.memory_space<vmem>>, vector<512x1xi32>
      tpu.vector_store %arg3[%swap3A_58, %swap3A_59], %min3A {strides = array<i32>} : memref<512x1xi32, #tpu.memory_space<vmem>>, vector<512x1xi32>,
    } else {
    }
    %ge3A_12 = arith.constant 2 : i32
    %ge3A_13 = arith.cmpi sge, %arg0, %ge3A_12 : i32
    %convert_element_type3A_14 = arith.extui %ge3A_13 : i1 to i32
    %cond3A_15 = arith.constant 0 : i32
    %cond3A_16 = arith.cmpi ne, %convert_element_type3A_14, %cond3A_15 : i32
    scf.if %cond3A_16 {
      %get3A_42 = arith.constant 2 : index
      %get3A_43 = arith.constant 0 : index
      %get3A_44 = arith.constant 0 : index
      %get3A_45 = vector.load %arg1[%get3A_42, %get3A_43, %get3A_44] : memref<8x1x512xi32, #tpu.memory_space<vmem>>, vector<1x1x512xi32>
      %get3A_46 = vector.shape_cast %get3A_45 : vector<1x1x512xi32> to vector<1x512xi32>
      %eq3A = vector.broadcast %get3A_1 : vector<512x1xi32> to vector<512x512xi32>
      %eq3A_47 = vector.broadcast %get3A_46 : vector<1x512xi32> to vector<512x512xi32>
      %eq3A_48 = arith.cmpi eq, %eq3A, %eq3A_47 : vector<512x512xi32>
      %add3A = arith.constant 1024 : i32
      %add3A_49 = vector.broadcast %add3A : i32 to vector<512x512xi32>
      %add3A_50 = arith.addi %iota3A, %add3A_49 : vector<512x512xi32>
      %jit3A = arith.constant 4096 : i64
      %convert_element_type3A_51 = arith.trunci %jit3A : i64 to i32
      %broadcast_in_dim3A_52 = vector.broadcast %convert_element_type3A_51 : i32 to vector<512x512xi32>
      %select_n3A = arith.select %eq3A_48, %add3A_50, %broadcast_in_dim3A_52 : vector<512x512xi1>, vector<512x512xi32>
      %get3A_53 = arith.constant 0 : index
      %get3A_54 = arith.constant 0 : index
      %get3A_55 = vector.load %arg3[%get3A_53, %get3A_54] : memref<512x1xi32, #tpu.memory_space<vmem>>, vector<512x1xi32>
      %reduce_min3A = arith.constant dense<2147483647> : vector<512xi32>
      %reduce_min3A_56 = vector.multi_reduction <minsi>, %select_n3A, %reduce_min3A [1] : vector<512x512xi32> to vector<512xi32>
      %broadcast_in_dim3A_57 = vector.shape_cast %reduce_min3A_56 : vector<512xi32> to vector<512x1xi32>
      %min3A = arith.minsi %get3A_55, %broadcast_in_dim3A_57 : vector<512x1xi32>
      %swap3A_58 = arith.constant 0 : index
      %swap3A_59 = arith.constant 0 : index
      %swap3A_60 = vector.load %arg3[%swap3A_58, %swap3A_59] : memref<512x1xi32, #tpu.memory_space<vmem>>, vector<512x1xi32>
      tpu.vector_store %arg3[%swap3A_58, %swap3A_59], %min3A {strides = array<i32>} : memref<512x1xi32, #tpu.memory_space<vmem>>, vector<512x1xi32>,
    } else {
    }
    %ge3A_17 = arith.constant 3 : i32
    %ge3A_18 = arith.cmpi sge, %arg0, %ge3A_17 : i32
    %convert_element_type3A_19 = arith.extui %ge3A_18 : i1 to i32
    %cond3A_20 = arith.constant 0 : i32
    %cond3A_21 = arith.cmpi ne, %convert_element_type3A_19, %cond3A_20 : i32
    scf.if %cond3A_21 {
      %get3A_42 = arith.constant 3 : index
      %get3A_43 = arith.constant 0 : index
      %get3A_44 = arith.constant 0 : index
      %get3A_45 = vector.load %arg1[%get3A_42, %get3A_43, %get3A_44] : memref<8x1x512xi32, #tpu.memory_space<vmem>>, vector<1x1x512xi32>
      %get3A_46 = vector.shape_cast %get3A_45 : vector<1x1x512xi32> to vector<1x512xi32>
      %eq3A = vector.broadcast %get3A_1 : vector<512x1xi32> to vector<512x512xi32>
      %eq3A_47 = vector.broadcast %get3A_46 : vector<1x512xi32> to vector<512x512xi32>
      %eq3A_48 = arith.cmpi eq, %eq3A, %eq3A_47 : vector<512x512xi32>
      %add3A = arith.constant 1536 : i32
      %add3A_49 = vector.broadcast %add3A : i32 to vector<512x512xi32>
      %add3A_50 = arith.addi %iota3A, %add3A_49 : vector<512x512xi32>
      %jit3A = arith.constant 4096 : i64
      %convert_element_type3A_51 = arith.trunci %jit3A : i64 to i32
      %broadcast_in_dim3A_52 = vector.broadcast %convert_element_type3A_51 : i32 to vector<512x512xi32>
      %select_n3A = arith.select %eq3A_48, %add3A_50, %broadcast_in_dim3A_52 : vector<512x512xi1>, vector<512x512xi32>
      %get3A_53 = arith.constant 0 : index
      %get3A_54 = arith.constant 0 : index
      %get3A_55 = vector.load %arg3[%get3A_53, %get3A_54] : memref<512x1xi32, #tpu.memory_space<vmem>>, vector<512x1xi32>
      %reduce_min3A = arith.constant dense<2147483647> : vector<512xi32>
      %reduce_min3A_56 = vector.multi_reduction <minsi>, %select_n3A, %reduce_min3A [1] : vector<512x512xi32> to vector<512xi32>
      %broadcast_in_dim3A_57 = vector.shape_cast %reduce_min3A_56 : vector<512xi32> to vector<512x1xi32>
      %min3A = arith.minsi %get3A_55, %broadcast_in_dim3A_57 : vector<512x1xi32>
      %swap3A_58 = arith.constant 0 : index
      %swap3A_59 = arith.constant 0 : index
      %swap3A_60 = vector.load %arg3[%swap3A_58, %swap3A_59] : memref<512x1xi32, #tpu.memory_space<vmem>>, vector<512x1xi32>
      tpu.vector_store %arg3[%swap3A_58, %swap3A_59], %min3A {strides = array<i32>} : memref<512x1xi32, #tpu.memory_space<vmem>>, vector<512x1xi32>,
    } else {
    }
    %ge3A_22 = arith.constant 4 : i32
    %ge3A_23 = arith.cmpi sge, %arg0, %ge3A_22 : i32
    %convert_element_type3A_24 = arith.extui %ge3A_23 : i1 to i32
    %cond3A_25 = arith.constant 0 : i32
    %cond3A_26 = arith.cmpi ne, %convert_element_type3A_24, %cond3A_25 : i32
    scf.if %cond3A_26 {
      %get3A_42 = arith.constant 4 : index
      %get3A_43 = arith.constant 0 : index
      %get3A_44 = arith.constant 0 : index
      %get3A_45 = vector.load %arg1[%get3A_42, %get3A_43, %get3A_44] : memref<8x1x512xi32, #tpu.memory_space<vmem>>, vector<1x1x512xi32>
      %get3A_46 = vector.shape_cast %get3A_45 : vector<1x1x512xi32> to vector<1x512xi32>
      %eq3A = vector.broadcast %get3A_1 : vector<512x1xi32> to vector<512x512xi32>
      %eq3A_47 = vector.broadcast %get3A_46 : vector<1x512xi32> to vector<512x512xi32>
      %eq3A_48 = arith.cmpi eq, %eq3A, %eq3A_47 : vector<512x512xi32>
      %add3A = arith.constant 2048 : i32
      %add3A_49 = vector.broadcast %add3A : i32 to vector<512x512xi32>
      %add3A_50 = arith.addi %iota3A, %add3A_49 : vector<512x512xi32>
      %jit3A = arith.constant 4096 : i64
      %convert_element_type3A_51 = arith.trunci %jit3A : i64 to i32
      %broadcast_in_dim3A_52 = vector.broadcast %convert_element_type3A_51 : i32 to vector<512x512xi32>
      %select_n3A = arith.select %eq3A_48, %add3A_50, %broadcast_in_dim3A_52 : vector<512x512xi1>, vector<512x512xi32>
      %get3A_53 = arith.constant 0 : index
      %get3A_54 = arith.constant 0 : index
      %get3A_55 = vector.load %arg3[%get3A_53, %get3A_54] : memref<512x1xi32, #tpu.memory_space<vmem>>, vector<512x1xi32>
      %reduce_min3A = arith.constant dense<2147483647> : vector<512xi32>
      %reduce_min3A_56 = vector.multi_reduction <minsi>, %select_n3A, %reduce_min3A [1] : vector<512x512xi32> to vector<512xi32>
      %broadcast_in_dim3A_57 = vector.shape_cast %reduce_min3A_56 : vector<512xi32> to vector<512x1xi32>
      %min3A = arith.minsi %get3A_55, %broadcast_in_dim3A_57 : vector<512x1xi32>
      %swap3A_58 = arith.constant 0 : index
      %swap3A_59 = arith.constant 0 : index
      %swap3A_60 = vector.load %arg3[%swap3A_58, %swap3A_59] : memref<512x1xi32, #tpu.memory_space<vmem>>, vector<512x1xi32>
      tpu.vector_store %arg3[%swap3A_58, %swap3A_59], %min3A {strides = array<i32>} : memref<512x1xi32, #tpu.memory_space<vmem>>, vector<512x1xi32>,
    } else {
    }
    %ge3A_27 = arith.constant 5 : i32
    %ge3A_28 = arith.cmpi sge, %arg0, %ge3A_27 : i32
    %convert_element_type3A_29 = arith.extui %ge3A_28 : i1 to i32
    %cond3A_30 = arith.constant 0 : i32
    %cond3A_31 = arith.cmpi ne, %convert_element_type3A_29, %cond3A_30 : i32
    scf.if %cond3A_31 {
      %get3A_42 = arith.constant 5 : index
      %get3A_43 = arith.constant 0 : index
      %get3A_44 = arith.constant 0 : index
      %get3A_45 = vector.load %arg1[%get3A_42, %get3A_43, %get3A_44] : memref<8x1x512xi32, #tpu.memory_space<vmem>>, vector<1x1x512xi32>
      %get3A_46 = vector.shape_cast %get3A_45 : vector<1x1x512xi32> to vector<1x512xi32>
      %eq3A = vector.broadcast %get3A_1 : vector<512x1xi32> to vector<512x512xi32>
      %eq3A_47 = vector.broadcast %get3A_46 : vector<1x512xi32> to vector<512x512xi32>
      %eq3A_48 = arith.cmpi eq, %eq3A, %eq3A_47 : vector<512x512xi32>
      %add3A = arith.constant 2560 : i32
      %add3A_49 = vector.broadcast %add3A : i32 to vector<512x512xi32>
      %add3A_50 = arith.addi %iota3A, %add3A_49 : vector<512x512xi32>
      %jit3A = arith.constant 4096 : i64
      %convert_element_type3A_51 = arith.trunci %jit3A : i64 to i32
      %broadcast_in_dim3A_52 = vector.broadcast %convert_element_type3A_51 : i32 to vector<512x512xi32>
      %select_n3A = arith.select %eq3A_48, %add3A_50, %broadcast_in_dim3A_52 : vector<512x512xi1>, vector<512x512xi32>
      %get3A_53 = arith.constant 0 : index
      %get3A_54 = arith.constant 0 : index
      %get3A_55 = vector.load %arg3[%get3A_53, %get3A_54] : memref<512x1xi32, #tpu.memory_space<vmem>>, vector<512x1xi32>
      %reduce_min3A = arith.constant dense<2147483647> : vector<512xi32>
      %reduce_min3A_56 = vector.multi_reduction <minsi>, %select_n3A, %reduce_min3A [1] : vector<512x512xi32> to vector<512xi32>
      %broadcast_in_dim3A_57 = vector.shape_cast %reduce_min3A_56 : vector<512xi32> to vector<512x1xi32>
      %min3A = arith.minsi %get3A_55, %broadcast_in_dim3A_57 : vector<512x1xi32>
      %swap3A_58 = arith.constant 0 : index
      %swap3A_59 = arith.constant 0 : index
      %swap3A_60 = vector.load %arg3[%swap3A_58, %swap3A_59] : memref<512x1xi32, #tpu.memory_space<vmem>>, vector<512x1xi32>
      tpu.vector_store %arg3[%swap3A_58, %swap3A_59], %min3A {strides = array<i32>} : memref<512x1xi32, #tpu.memory_space<vmem>>, vector<512x1xi32>,
    } else {
    }
    %ge3A_32 = arith.constant 6 : i32
    %ge3A_33 = arith.cmpi sge, %arg0, %ge3A_32 : i32
    %convert_element_type3A_34 = arith.extui %ge3A_33 : i1 to i32
    %cond3A_35 = arith.constant 0 : i32
    %cond3A_36 = arith.cmpi ne, %convert_element_type3A_34, %cond3A_35 : i32
    scf.if %cond3A_36 {
      %get3A_42 = arith.constant 6 : index
      %get3A_43 = arith.constant 0 : index
      %get3A_44 = arith.constant 0 : index
      %get3A_45 = vector.load %arg1[%get3A_42, %get3A_43, %get3A_44] : memref<8x1x512xi32, #tpu.memory_space<vmem>>, vector<1x1x512xi32>
      %get3A_46 = vector.shape_cast %get3A_45 : vector<1x1x512xi32> to vector<1x512xi32>
      %eq3A = vector.broadcast %get3A_1 : vector<512x1xi32> to vector<512x512xi32>
      %eq3A_47 = vector.broadcast %get3A_46 : vector<1x512xi32> to vector<512x512xi32>
      %eq3A_48 = arith.cmpi eq, %eq3A, %eq3A_47 : vector<512x512xi32>
      %add3A = arith.constant 3072 : i32
      %add3A_49 = vector.broadcast %add3A : i32 to vector<512x512xi32>
      %add3A_50 = arith.addi %iota3A, %add3A_49 : vector<512x512xi32>
      %jit3A = arith.constant 4096 : i64
      %convert_element_type3A_51 = arith.trunci %jit3A : i64 to i32
      %broadcast_in_dim3A_52 = vector.broadcast %convert_element_type3A_51 : i32 to vector<512x512xi32>
      %select_n3A = arith.select %eq3A_48, %add3A_50, %broadcast_in_dim3A_52 : vector<512x512xi1>, vector<512x512xi32>
      %get3A_53 = arith.constant 0 : index
      %get3A_54 = arith.constant 0 : index
      %get3A_55 = vector.load %arg3[%get3A_53, %get3A_54] : memref<512x1xi32, #tpu.memory_space<vmem>>, vector<512x1xi32>
      %reduce_min3A = arith.constant dense<2147483647> : vector<512xi32>
      %reduce_min3A_56 = vector.multi_reduction <minsi>, %select_n3A, %reduce_min3A [1] : vector<512x512xi32> to vector<512xi32>
      %broadcast_in_dim3A_57 = vector.shape_cast %reduce_min3A_56 : vector<512xi32> to vector<512x1xi32>
      %min3A = arith.minsi %get3A_55, %broadcast_in_dim3A_57 : vector<512x1xi32>
      %swap3A_58 = arith.constant 0 : index
      %swap3A_59 = arith.constant 0 : index
      %swap3A_60 = vector.load %arg3[%swap3A_58, %swap3A_59] : memref<512x1xi32, #tpu.memory_space<vmem>>, vector<512x1xi32>
      tpu.vector_store %arg3[%swap3A_58, %swap3A_59], %min3A {strides = array<i32>} : memref<512x1xi32, #tpu.memory_space<vmem>>, vector<512x1xi32>,
    } else {
    }
    %ge3A_37 = arith.constant 7 : i32
    %ge3A_38 = arith.cmpi sge, %arg0, %ge3A_37 : i32
    %convert_element_type3A_39 = arith.extui %ge3A_38 : i1 to i32
    %cond3A_40 = arith.constant 0 : i32
    %cond3A_41 = arith.cmpi ne, %convert_element_type3A_39, %cond3A_40 : i32
    scf.if %cond3A_41 {
      %get3A_42 = arith.constant 7 : index
      %get3A_43 = arith.constant 0 : index
      %get3A_44 = arith.constant 0 : index
      %get3A_45 = vector.load %arg1[%get3A_42, %get3A_43, %get3A_44] : memref<8x1x512xi32, #tpu.memory_space<vmem>>, vector<1x1x512xi32>
      %get3A_46 = vector.shape_cast %get3A_45 : vector<1x1x512xi32> to vector<1x512xi32>
      %eq3A = vector.broadcast %get3A_1 : vector<512x1xi32> to vector<512x512xi32>
      %eq3A_47 = vector.broadcast %get3A_46 : vector<1x512xi32> to vector<512x512xi32>
      %eq3A_48 = arith.cmpi eq, %eq3A, %eq3A_47 : vector<512x512xi32>
      %add3A = arith.constant 3584 : i32
      %add3A_49 = vector.broadcast %add3A : i32 to vector<512x512xi32>
      %add3A_50 = arith.addi %iota3A, %add3A_49 : vector<512x512xi32>
      %jit3A = arith.constant 4096 : i64
      %convert_element_type3A_51 = arith.trunci %jit3A : i64 to i32
      %broadcast_in_dim3A_52 = vector.broadcast %convert_element_type3A_51 : i32 to vector<512x512xi32>
      %select_n3A = arith.select %eq3A_48, %add3A_50, %broadcast_in_dim3A_52 : vector<512x512xi1>, vector<512x512xi32>
      %get3A_53 = arith.constant 0 : index
      %get3A_54 = arith.constant 0 : index
      %get3A_55 = vector.load %arg3[%get3A_53, %get3A_54] : memref<512x1xi32, #tpu.memory_space<vmem>>, vector<512x1xi32>
      %reduce_min3A = arith.constant dense<2147483647> : vector<512xi32>
      %reduce_min3A_56 = vector.multi_reduction <minsi>, %select_n3A, %reduce_min3A [1] : vector<512x512xi32> to vector<512xi32>
      %broadcast_in_dim3A_57 = vector.shape_cast %reduce_min3A_56 : vector<512xi32> to vector<512x1xi32>
      %min3A = arith.minsi %get3A_55, %broadcast_in_dim3A_57 : vector<512x1xi32>
      %swap3A_58 = arith.constant 0 : index
      %swap3A_59 = arith.constant 0 : index
      %swap3A_60 = vector.load %arg3[%swap3A_58, %swap3A_59] : memref<512x1xi32, #tpu.memory_space<vmem>>, vector<512x1xi32>
      tpu.vector_store %arg3[%swap3A_58, %swap3A_59], %min3A {strides = array<i32>} : memref<512x1xi32, #tpu.memory_space<vmem>>, vector<512x1xi32>,
    } else {
    }
    return
  }
  func.func @transform_0(%arg0: i32) -> (i32, i32, i32) {
    %c0_i32 = arith.constant 0 : i32
    %c0_i32_0 = arith.constant 0 : i32
    %c0_i32_1 = arith.constant 0 : i32
    %c0_i32_2 = arith.constant 0 : i32
    return %c0_i32, %c0_i32_0, %c0_i32_1 : i32, i32, i32
  }
  func.func @transform_1(%arg0: i32) -> (i32, i32) {
    %c0_i32 = arith.constant 0 : i32
    %c0_i32_0 = arith.constant 0 : i32
    return %arg0, %c0_i32 : i32, i32
  }
  func.func @transform_2(%arg0: i32) -> (i32, i32) {
    %c0_i32 = arith.constant 0 : i32
    %c0_i32_0 = arith.constant 0 : i32
    return %arg0, %c0_i32 : i32, i32
  }
}

</mosaic_0001>

<sc_bundles>
// kernel: kernel.5.cloned.1.call-start
scs
__scs_entry_jumppad:
0x0: {  	(pc) =	sbr.rel $0x88, $3  }
0x1: {  	(tag) =	ssettag $0x0;
	lr =	simm.s32 $0x1  }
0x2: {  	[smem:$0x3F9F] =	sst lr;
	_ =	strace $0xD0000000  }
0x3: {  	_ = 	snop  }
0x4: {  	_ = 	snop  }
0x5: {  	_ = 	snop  }
0x6: {  	_ = 	snop  }
0x7: {  	_ = 	snop  }
__scs_overlays_trampoline_lowered:
0x8: {  	[smem:$0x3FAE] =	sst s0  }
0x9: {  	[smem:$0x3FAF] =	sst s1  }
0xa: {  	[smem:$0x3FB0] =	sst s2  }
0xb: {  	[smem:$0x3FB1] =	sst s3  }
0xc: {  	[smem:$0x3FB2] =	sst s4  }
0xd: {  	[smem:$0x3FB3] =	sst s5  }
0xe: {  	[smem:$0x3FB4] =	sst s6  }
0xf: {  	[smem:$0x3FB5] =	sst s7  }
0x10: {  	[smem:$0x3FB6] =	sst s8  }
0x11: {  	[smem:$0x3FB7] =	sst s9;
	s0 =	simm.s32 @!p0 $0x0  }
0x12: {  	s1 =	sld [smem:$0x3F9D];
	s0 =	simm.s32 @p0 $0x1  }
0x13: {  	[smem:$0x3FB8] =	sst s0;
	s0 =	simm.s32 @!p1 $0x0  }
0x14: {  	s2 =	sld [smem:$0x3F9C];
	s0 =	simm.s32 @p1 $0x1  }
0x15: {  	[smem:$0x3FB9] =	sst s0;
	s0 =	simm.s32 @!p2 $0x0  }
0x16: {  	s3 =	sld [smem:$0x3FDB];
	s0 =	simm.s32 @p2 $0x1  }
0x17: {  	s4 =	simm.s32 $0x1BF5;
	[smem:$0x3FBB] =	sst s0  }
0x18: {  	s0 =	sld [smem:$0x3F9E];
	_ =	swait.ge [sflag:s4], $0x0  }
0x19: {  	s7 =	sld [smem:$0x3F9F]  }
0x1a: {  	s8 =	sadd.s32 $0xFFFFE003, lr  }
0x1b: {  	s9 =	sadd.s32 $0xFFFFFEF7, lr;
	s5 =	simm.s32 $0xFFFFFFFF;
	p2 =	slt.u32 s8, $0xFFFFF086  }
0x1c: {  	p1 =	slt.u32 s9, $0xF7A;
	s5 =	simm.s32 @!p2 $0x0  }
0x1d: {  	s5 =	simm.s32 @p1 $0x1;
	p0 =	seq.s32 s7, s2  }
0x1e: {  	s7 =	smul.u32 @!p0 $0xF7A, s2;
	p2 =	seq.s32 @!p0 s5, $0x0  }
0x1f: {  	s9 =	smul.u32 $0xF7A, s1;
	s8 =	simm.s32 @!p0 $0x1BF5;
	p2 =	por !p2, p0  }
0x20: {  	[sflag:s8] =	ssyncset.s32 @!p0 $0xFFFFF086;
	s6 =	sadd.s32 @!p0 s3, s7;
	s7 =	simm.s32 @!p0 $0x108  }
0x21: {  	s3 =	sadd.s32 s3, s9;
	s6 =	sadd.s32 @!p0 $0x88, s6;
	s7 =	simm.s32 @p2 $0x1082  }
0x22: {  	[simem:s7], [sflag:s8] =	dma.local @!p0 [hbm:s6], $0xF7A  }
0x23: {  	s9 =	sor.u32 $0xD0000000, s2;
	s6 =	simm.s32 $0x108;
	_ =	swait.ge @!p0 [sflag:s8], $0x0  }
0x24: {  	s3 =	sadd.s32 $0x88, s3;
	s6 =	simm.s32 @!p1 $0x1082;
	[sflag:s4] =	ssyncset.s32 $0xFFFFF086  }
0x25: {  	[simem:s6], [sflag:s4] =	dma.local [hbm:s3], $0xF7A  }
0x26: {  	[smem:$0x3F9F] =	sst s1;
	(tag) =	ssettag s2;
	_ =	strace s9  }
0x27: {  	s1 =	sld [smem:$0x3FAF]  }
0x28: {  	s2 =	sld [smem:$0x3FB0]  }
0x29: {  	s4 =	sld [smem:$0x3FB2]  }
0x2a: {  	p0 =	seq.s32 s5, $0x0;
	s5 =	sld [smem:$0x3FB3]  }
0x2b: {  	s6 =	sld [smem:$0x3FB4]  }
0x2c: {  	s7 =	sld [smem:$0x3FB5]  }
0x2d: {  	s3 =	simm.s32 $0x108;
	s8 =	sld [smem:$0x3FB6]  }
0x2e: {  	s3 =	simm.s32 @!p0 $0x1082;
	s9 =	sld [smem:$0x3FB7]  }
0x2f: {  	lr =	sadd.s32 s0, s3;
	s0 =	sld [smem:$0x3FAE]  }
0x30: {  	s3 =	sld [smem:$0x3FB1]  }
0x31: {  	[smem:$0x3FBA] =	sst s10  }
0x32: {  	s10 =	sld [smem:$0x3FB8];
	_ =	sdelay $0x3  }
0x33: {  	p0 =	seq.s32 s10, $0x1;
	s10 =	sld [smem:$0x3FBA];
	_ =	sdelay $0x3  }
0x34: {  	[smem:$0x3FBA] =	sst s10  }
0x35: {  	s10 =	sld [smem:$0x3FB9];
	_ =	sdelay $0x3  }
0x36: {  	p1 =	seq.s32 s10, $0x1;
	s10 =	sld [smem:$0x3FBA];
	_ =	sdelay $0x3  }
0x37: {  	[smem:$0x3FBA] =	sst s10  }
0x38: {  	s10 =	sld [smem:$0x3FBB]  }
0x39: {  	_ = 	snop;
	(pc) =	sbr.ind lr, $3  }
0x3a: {  	_ = 	snop  }
0x3b: {  	_ = 	snop  }
0x3c: {  	p2 =	seq.s32 s10, $0x1;
	s10 =	sld [smem:$0x3FBA]  }
0x3d: {  	_ =	shalt  }
0x3e: {  	_ =	shalt  }
0x3f: {  	_ =	shalt  }
0x40: {  	_ =	shalt  }
0x41: {  	_ =	shalt  }
0x42: {  	_ =	shalt  }
0x43: {  	_ =	shalt  }
0x44: {  	_ =	shalt  }
0x45: {  	_ =	shalt  }
0x46: {  	_ =	shalt  }
0x47: {  	_ =	shalt  }
0x48: {  	_ =	shalt  }
0x49: {  	_ =	shalt  }
0x4a: {  	_ =	shalt  }
0x4b: {  	_ =	shalt  }
0x4c: {  	_ =	shalt  }
0x4d: {  	_ =	shalt  }
0x4e: {  	_ =	shalt  }
0x4f: {  	_ =	shalt  }
0x50: {  	_ =	shalt  }
0x51: {  	_ =	shalt  }
0x52: {  	_ =	shalt  }
0x53: {  	_ =	shalt  }
0x54: {  	_ =	shalt  }
0x55: {  	_ =	shalt  }
0x56: {  	_ =	shalt  }
0x57: {  	_ =	shalt  }
0x58: {  	_ =	shalt  }
0x59: {  	_ =	shalt  }
0x5a: {  	_ =	shalt  }
0x5b: {  	_ =	shalt  }
0x5c: {  	_ =	shalt  }
0x5d: {  	_ =	shalt  }
0x5e: {  	_ =	shalt  }
0x5f: {  	_ =	shalt  }
0x60: {  	_ =	shalt  }
0x61: {  	_ =	shalt  }
0x62: {  	_ =	shalt  }
0x63: {  	_ =	shalt  }
0x64: {  	_ =	shalt  }
0x65: {  	_ =	shalt  }
0x66: {  	_ =	shalt  }
0x67: {  	_ =	shalt  }
0x68: {  	_ =	shalt  }
0x69: {  	_ =	shalt  }
0x6a: {  	_ =	shalt  }
0x6b: {  	_ =	shalt  }
0x6c: {  	_ =	shalt  }
0x6d: {  	_ =	shalt  }
0x6e: {  	_ =	shalt  }
0x6f: {  	_ =	shalt  }
0x70: {  	_ =	shalt  }
0x71: {  	_ =	shalt  }
0x72: {  	_ =	shalt  }
0x73: {  	_ =	shalt  }
0x74: {  	_ =	shalt  }
0x75: {  	_ =	shalt  }
0x76: {  	_ =	shalt  }
0x77: {  	_ =	shalt  }
0x78: {  	_ =	shalt  }
0x79: {  	_ =	shalt  }
0x7a: {  	_ =	shalt  }
0x7b: {  	_ =	shalt  }
0x7c: {  	_ =	shalt  }
0x7d: {  	_ =	shalt  }
0x7e: {  	_ =	shalt  }
0x7f: {  	_ =	shalt  }
0x80: {  	_ =	shalt  }
0x81: {  	_ =	shalt  }
0x82: {  	_ =	shalt  }
0x83: {  	_ =	shalt  }
0x84: {  	_ =	shalt  }
0x85: {  	_ =	shalt  }
0x86: {  	_ =	shalt  }
0x87: {  	_ =	shalt  }
.Lfunc_end0:
.L_simem_size_0:
called_computation_lowered:
.L_overlay_start_0:
0x88: {  	s2 =	sld [smem:$0x3FD9]  }
0x89: {  	s3 =	sld [smem:$0x3FFE];
	_ =	sdelay $0x1  }
0x8a: {  	s1 =	srdreg.scid  }
0x8b: {  	s0 =	sand.u32 $0x1, s1  }
0x8c: {  	s17 =	sshll.u32 s0, $0xA;
	s2 =	sadd.s32 s3, s2  }
0x8d: {  	s2 =	sadd.s32 s2, s17  }
0x8e: {  	[smem:$0x3FC6] =	sst s2  }
0x8f: {  	_ = 	snop  }
0x90: {  	s2 =	sld [smem:$0x3FD0];
	(tm) =	ssettm $0x1  }
0x91: {  	s18 =	sld [smem:$0x3FFB];
	_ =	sdelay $0x3  }
0x92: {  	_ =	strace s18  }
0x93: {  	s3 =	sld [smem:$0x3FFC];
	_ =	sdelay $0x3  }
0x94: {  	_ =	strace s3  }
0x95: {  	s3 =	sld [smem:$0x3FFD];
	_ =	sdelay $0x3  }
0x96: {  	_ =	strace s3  }
0x97: {  	_ =	strace $0x8FFFFFFF  }
0x98: {  	s19 =	sld [smem:$0x3FDB];
	_ =	sdelay $0x1  }
0x99: {  	s4 =	simm.s32 $_scs_section_size  }
0x9a: {  	s5 =	simm.s32 $_size__tile_overlayer_lowered;
	s6 =	simm.s32 $_tile_overlayer_lowered  }
0x9b: {  	s22 =	simm.s32 $0x1BFF;
	s21 =	sshll.u32 s6, $0x1;
	s3 =	sadd.s32 s4, s19  }
0x9c: {  	s7 =	simm.s32 $0x0;
	s20 =	sshll.u32 s5, $0x1;
	s5 =	sadd.s32 s21, s3  }
0x9d: {  	[timem:s7], [sflag:s22] =	dma.local [hbm:s5], s20  }
0x9e: {  	_ =	swait.ge [sflag:s22], s20  }
0x9f: {  	s4 =	ssub.s32 $0x0, s20;
	[sflag:s22] =	ssyncset.done $0x0  }
0xa0: {  	[sflag:s22] =	ssyncadd.s32 s4;
	_ =	sdelay $0x1  }
0xa1: {  	s23 =	simm.s32 $0x1B8B  }
0xa2: {  	_ =	swait.ge [sflag:s23], $0x1  }
0xa3: {  	[sflag:s23] =	ssyncset.done $0x0  }
0xa4: {  	s25 =	simm.s32 $0x1B8E;
	s24 =	sld [smem:$0x3FFE];
	[sflag:s23] =	ssyncadd.s32 $0xFFFFFFFF  }
0xa5: {  	s26 =	simm.s32 $execute0_lowered;
	[smem:$0x3FD2] =	sst s25  }
0xa6: {  	s5 =	sshll.u32 s26, $0x1;
	_ =	strace $0x80000046;
	[dreg:$0x1] =	wrdreg $0xFFFFFFFF  }
0xa7: {  	s28 =	simm.s32 $_size_execute0_lowered;
	s3 =	sadd.s32 s3, s5;
	[dreg:$0x0] =	wrdreg $0x0  }
0xa8: {  	s5 =	sshll.u32 s28, $0x1;
	[dreg:$0x2] =	wrdreg s3  }
0xa9: {  	[dreg:$0x3] =	wrdreg s5  }
0xaa: {  	[dreg:$0x4] =	wrdreg $0xC0  }
0xab: {  	_ =	task [dreg:s7], $0x5FFFF  }
0xac: {  	[dreg:$0x1] =	wrdreg $0xFFFFFFFF  }
0xad: {  	[dreg:$0x0] =	wrdreg $0x60  }
0xae: {  	[dreg:$0x2] =	wrdreg s24  }
0xaf: {  	[dreg:$0x3] =	wrdreg s2  }
0xb0: {  	[dreg:$0x4] =	wrdreg $0x9  }
0xb1: {  	_ =	task.clear_ibuf [dreg:s7], $0x5FFFF;
	_ =	strace $0x90000046  }
0xb2: {  	s29 =	simm.s32 $0x9;
	_ =	strace $0x80000048  }
0xb3: {  	_ =	swait.ge [sflag:s29], $0x1  }
0xb4: {  	[sflag:s29] =	ssyncadd.s32 $0xFFFFFFFF  }
0xb5: {  	_ =	strace $0x90000048  }
0xb6: {  	_ =	sfence  }
0xb7: {  	s30 =	sld [smem:$0x0];
	_ =	sdelay $0x2  }
0xb8: {  	s31 =	sshll.u32 s1, $0xD;
	s1 =	sshrl.u32 s1, $0x2  }
0xb9: {  	s3 =	sand.u32 $0x4000, s31;
	s1 =	sadd.s32 s1, s30  }
0xba: {  	s0 =	sor.u32 s3, s0;
	s1 =	sshll.u32 s1, $0x11  }
0xbb: {  	s0 =	sor.u32 s1, s0  }
0xbc: {  	s0 =	sadd.s32 $0x8F2B, s0  }
0xbd: {  	[sflag:s0] =	ssyncadd.remote.s32 $0x1  }
0xbe: {  	_ =	sfence.sel $0xFFFF  }
0xbf: {  	[dreg:$0x0] =	wrdreg $0xFFFFFFFF;
	(pc) =	sbr.abs _section_cstart, $3  }
0xc0: {  	[dreg:$0x1] =	wrdreg $0xFFFFFFFF  }
0xc1: {  	_ =	task.clear_ibuf [dreg:s7], $0x2FFFF;
	_ =	strace $0x9FFFFFFF  }
0xc2: {  	(tm) =	ssettm $0x7FFFFFFF  }
0xc3: {  	_ =	shalt  }
tec
execute0_lowered:
.L_overlay_start_1:
0x0: {  	(tag) =	ssettag $0x1  }
0x1: {  	s1 =	srdreg.scid  }
0x2: {  	s0 =	stileid.u32;
	s6 =	sand.u32 $0x1, s1  }
0x3: {  	s5 =	rddreg [dreg:$0x0];
	s30 =	sshll.u32 s0, $0x8;
	s2 =	sshll.u32 s6, $0x7  }
0x4: {  	s8 =	rddreg [dreg:$0x1];
	s9 =	sor.u32 s2, s30  }
0x5: {  	s1 =	rddreg [dreg:$0x2];
	s2 =	simm.s32 $0x0;
	s3 =	sshrl.u32 s9, $0x3  }
0x6: {  	s10 =	ssub.s32 $0x2, s6;
	[smem:$0x7FF] =	sst s2;
	s3 =	sadd.s32 s3, s5  }
0x7: {  	_ =	strace $0x80000047;
	s4 =	sadd.s32 $0x10800, s3;
	s3 =	simm.s32 $0x2  }
0x8: {  	[tilespmem:s2], [sflag:$0x2] =	stream.linear.gather [hbm4b:s4+s2], $0x80, $0x38;
	[tilespmem:$0x4080] =	vst v63  }
0x9: {  	s7 =	simm.s32 $0x1;
	s11 =	sshrl.u32 s10, $0x1;
	_ =	swait.ge [sflag:s3], $0x80  }
0xa: {  	s6 =	simm.s32 $0x80;
	s10 =	ssub.s32 s10, s11;
	[sflag:s3] =	ssyncset.done $0x0  }
0xb: {  	s5 =	sadd.s32 $0x800, s5;
	s31 =	smax.u32 s10, $0x1;
	[sflag:s3] =	ssyncadd.s32 $0xFFFFFF80  }
0xc: {  	[tilespmem:s6], [sflag:$0x1] =	stream.indirect.gather [hbm4b:s5+s6], $0x80, s2, s6, $0xb8;
	[tilespmem:$0x4080] =	vst v63  }
0xd: {  	p0 =	sne.s32 s31, $0x1;
	_ =	swait.ge [sflag:s7], $0x4000  }
.Ltmp0:
0xe: {  	s9 =	sshll.u32 s9, $0x4;
	[sflag:s7] =	ssyncset.done $0x0;
	(pc) =	sbr.rel @!p0 .LBB2_2-.Ltmp0, $4  }
0xf: {  	s8 =	sadd.s32 s8, s9;
	[sflag:s7] =	ssyncadd.s32 $0xFFFFC000  }
0x10: {  	[hbm4b:s8+s2] =	stream.linear.scatter [tilespmem:s6], [sflag:$0x2], $0x4000, $0x38;
	[tilespmem:$0x4080] =	vst v63  }
0x11: {  	_ =	swait.ge [sflag:s3], $0x4000  }
0x12: {  	s9 =	sadd.s32 $0xFFFFFFFF, s31;
	[sflag:s3] =	ssyncset.done $0x0  }
.LBB2_1:
0x13: {  	p0 =	sne.s32 s9, $0x1;
	s9 =	sadd.s32 $0xFFFFFFFF, s9;
	[sflag:s3] =	ssyncadd.s32 $0xFFFFC000  }
0x14: {  	[tilespmem:s2], [sflag:$0x2] =	stream.linear.gather [hbm4b:s4+s2], $0x80, $0x38;
	[tilespmem:$0x4080] =	vst v63  }
0x15: {  	_ =	swait.ge [sflag:s3], $0x80  }
0x16: {  	[sflag:s3] =	ssyncset.done $0x0  }
0x17: {  	[sflag:s3] =	ssyncadd.s32 $0xFFFFFF80  }
0x18: {  	[tilespmem:s6], [sflag:$0x1] =	stream.indirect.gather [hbm4b:s5+s6], $0x80, s2, s6, $0xb8;
	[tilespmem:$0x4080] =	vst v63  }
0x19: {  	_ =	swait.ge [sflag:s7], $0x4000  }
.Ltmp1:
0x1a: {  	[sflag:s7] =	ssyncset.done $0x0;
	(pc) =	sbr.rel @p0 .LBB2_1-.Ltmp1, $4  }
0x1b: {  	[sflag:s7] =	ssyncadd.s32 $0xFFFFC000  }
0x1c: {  	[hbm4b:s8+s2] =	stream.linear.scatter [tilespmem:s6], [sflag:$0x2], $0x4000, $0x38;
	[tilespmem:$0x4080] =	vst v63  }
0x1d: {  	_ =	swait.ge [sflag:s3], $0x4000  }
0x1e: {  	[sflag:s3] =	ssyncset.done $0x0  }
.LBB2_2:
0x1f: {  	[sflag:s3] =	ssyncadd.s32 $0xFFFFC000  }
0x20: {  	_ =	sfence.sel $0x180000  }
0x21: {  	[bflag:$0x0] =	sbarrier.arrive $0xFFFF  }
0x22: {  	p0 =	sne.s32 s0, $0x0;
	_ =	strace $0x90000047  }
0x23: {  	s0 =	sadd.s32 @!p0 $0x100000, s1;
	[bflag:$0x2] =	sbarrier.arrive $0xFFFF  }
0x24: {  	[sflag:s0] =	ssyncadd.tile.s32 @!p0 $0x1;
	_ =	shalt  }
.Lfunc_end2:
_tile_overlayer_lowered:
.L_overlay_start_2:
0x25: {  	(tag) =	ssettag $0x2  }
0x26: {  	s0 =	rddreg [dreg:$0x0];
	s2 =	stileid.u32  }
0x27: {  	s1 =	rddreg [dreg:$0x1];
	p0 =	sne.s32 s2, $0x0  }
0x28: {  	s3 =	rddreg [dreg:$0x2];
	[bflag:$0x3] =	sbarrier.arrive $0xFFFF;
	s2 =	simm.s32 @!p0 $0x1C02  }
0x29: {  	[timem:s3], [sflag:s2] =	dma.local @!p0 [hbm:s0], s1  }
0x2a: {  	s0 =	simm.s32 @!p0 $0x2  }
0x2b: {  	_ =	swait.ge @!p0 [sflag:s0], s1  }
0x2c: {  	s1 =	ssub.s32 @!p0 $0x0, s1;
	[sflag:s0] =	ssyncset.done @!p0 $0x0  }
0x2d: {  	[sflag:s0] =	ssyncadd.s32 @!p0 s1  }
0x2e: {  	[bflag:$0x3] =	sbarrier.arrive $0xFFFF  }
0x2f: {  	_ =	shalt  }

</sc_bundles>
